<compile_context>
chip_gen: v7x
topology: tpu7x:2x2x1
jax: 0.10.2.dev20260603
libtpu: 0.0.44.dev20260713+nightly
codegen_flags: <defaults>
</compile_context>

<pallas_src>
import functools

import jax
import jax.numpy as jnp
from jax import lax
from jax.experimental import pallas as pl
from jax.experimental.pallas import tpu as pltpu
from jax.experimental.pallas import tpu_sc as plsc

_LATENT = 32
_NUM_CODES = 8192
_TOK_BLK = 1024
_CODE_CHUNK = 2048


def _round_f32_to_bf16(x):
    b = lax.bitcast_convert_type(x, jnp.uint32)
    b = (b + jnp.uint32(0x7FFF) + ((b >> 16) & jnp.uint32(1))) & jnp.uint32(0xFFFF0000)
    return lax.bitcast_convert_type(b, jnp.float32)


def _argmin_block(z_ref, zm2_ref, c2_ref, cb16_ref, idx_ref):
    zb = z_ref[...]
    zm2 = zm2_ref[...]
    z2 = jnp.sum(zb * zb, axis=1, keepdims=True)
    t = zb.shape[0]
    accv = jnp.full((t, 1), jnp.inf, jnp.float32)
    acci = jnp.zeros((t, 1), jnp.int32)
    iota = lax.broadcasted_iota(jnp.int32, (t, _CODE_CHUNK), 1)
    for k in range(_NUM_CODES // _CODE_CHUNK):
        cbk16 = cb16_ref[pl.ds(k * _CODE_CHUNK, _CODE_CHUNK), :]
        c2 = c2_ref[:, pl.ds(k * _CODE_CHUNK, _CODE_CHUNK)]
        m = lax.dot_general(zm2, cbk16, (((1,), (1,)), ((), ())),
                            preferred_element_type=jnp.float32)
        d = (z2 + c2) + m
        vmin = jnp.min(d, axis=1, keepdims=True)
        imin = jnp.min(jnp.where(d == vmin, iota, jnp.int32(_CODE_CHUNK)),
                       axis=1, keepdims=True) + jnp.int32(k * _CODE_CHUNK)
        lt = vmin < accv
        eq = (vmin == accv) & (imin < acci)
        acci = jnp.where(lt | eq, imin, acci)
        accv = _round_f32_to_bf16(jnp.where(lt, vmin, accv))
    idx_ref[...] = acci[:, 0]


def _tc_argmin(z_flat, codebook):
    n = z_flat.shape[0]
    return pl.pallas_call(
        _argmin_block,
        grid=(n // _TOK_BLK,),
        in_specs=[
            pl.BlockSpec((_TOK_BLK, _LATENT), lambda i: (i, 0)),
            pl.BlockSpec((_TOK_BLK, _LATENT), lambda i: (i, 0)),
            pl.BlockSpec((1, _NUM_CODES), lambda i: (0, 0)),
            pl.BlockSpec((_NUM_CODES, _LATENT), lambda i: (0, 0)),
        ],
        out_specs=pl.BlockSpec((_TOK_BLK,), lambda i: (i,)),
        out_shape=jax.ShapeDtypeStruct((n,), jnp.int32),
    )(z_flat, (z_flat * jnp.float32(-2.0)).astype(jnp.bfloat16),
      jnp.sum(codebook * codebook, axis=1)[None, :],
      codebook.astype(jnp.bfloat16))


_ROW_PAD = 128


@functools.lru_cache(maxsize=None)
def _make_sc_gather(num_rows):
    info = plsc.get_sparse_core_info()
    nw = info.num_cores * info.num_subcores
    nc = info.num_cores
    b_per_w = num_rows // nw
    mesh = plsc.VectorSubcoreMesh(core_axis_name="c", subcore_axis_name="s")

    @functools.partial(
        pl.kernel,
        mesh=mesh,
        out_type=jax.ShapeDtypeStruct((num_rows, _LATENT), jnp.float32),
        scratch_types=[
            pltpu.VMEM((b_per_w,), jnp.int32),
            pltpu.VMEM((b_per_w, _LATENT), jnp.float32),
            pltpu.SemaphoreType.DMA,
        ],
        compiler_params=pltpu.CompilerParams(use_tc_tiling_on_sc=False),
    )
    def gather(table_hbm, idx_hbm, out_hbm, idx_v, rows_v, sem):
        wid = lax.axis_index("s") * nc + lax.axis_index("c")
        base = wid * b_per_w
        pltpu.sync_copy(idx_hbm.at[pl.ds(base, b_per_w)], idx_v)
        pltpu.async_copy(table_hbm.at[idx_v], rows_v, sem).wait()
        pltpu.sync_copy(rows_v, out_hbm.at[pl.ds(base, b_per_w)])

    return gather


def kernel(z, codebook):
    zp = jnp.transpose(z, (0, 2, 3, 1))
    z_flat = zp.reshape(-1, _LATENT)
    idx = _tc_argmin(z_flat, codebook)
    z_q_flat = _make_sc_gather(z_flat.shape[0])(codebook, idx)
    z_q = z_q_flat.reshape(zp.shape)
    z_out = jnp.transpose(z_q, (0, 3, 1, 2))
    return (z_out, z_q, zp)

# --- scband reference (transcript-rebuilt; emitter-appended) ---
"""Pipeline reference for scband-codebook-clean-7928509628503 (READ-ONLY COPY).

The authoritative reference and input builder live on the scoring server;
editing this copy changes nothing except your own understanding.
"""

import jax, jax.numpy as jnp
import numpy as np

NUM_CODES = 8192
LATENT_DIM = 32

def setup_inputs(seed: int = 0) -> dict:
    key = jax.random.key(seed)
    k1, k2 = jax.random.split(key)
    z = jax.random.normal(k1, (8, LATENT_DIM, 32, 32), dtype=jnp.float32)
    lim = 1.0 / NUM_CODES
    codebook = jax.random.uniform(k2, (NUM_CODES, LATENT_DIM), dtype=jnp.float32, minval=-lim, maxval=lim)
    return {"z": z, "codebook": codebook}

def reference(z, codebook):
    # permute NCHW -> NHWC
    zp = jnp.transpose(z, (0, 2, 3, 1))
    z_flat = zp.reshape(-1, LATENT_DIM)
    d = (jnp.sum(z_flat ** 2, axis=1, keepdims=True)
         + jnp.sum(codebook ** 2, axis=1)
         - 2.0 * jnp.matmul(z_flat, codebook.T))
    min_encoding_indices = jnp.argmin(d, axis=1)
    z_q = jnp.take(codebook, min_encoding_indices, axis=0).reshape(zp.shape)
    z_out = zp + jax.lax.stop_gradient(z_q - zp)
    z_out = jnp.transpose(z_out, (0, 3, 1, 2))
    return (z_out, z_q, zp)

if __name__ == "__main__":
    import jax
    _d = setup_inputs()
    print(jax.jit(kernel)(*tuple(_d.values())))

</pallas_src>

<mosaic_0001>
#map = affine_map<(d0, d1) -> (0, 0)>
#map1 = affine_map<(d0, d1) -> (0)>
module attributes {stable_mosaic.version = 14 : i64} {
  func.func @gather(%arg0: i32, %arg1: i32, %arg2: memref<8192x32xf32, #tpu.memory_space<hbm>>, %arg3: memref<8192xi32, #tpu.memory_space<hbm>>, %arg4: memref<8192x32xf32, #tpu.memory_space<hbm>>, %arg5: memref<256xi32, #tpu.memory_space<vmem>>, %arg6: memref<256x32xf32, #tpu.memory_space<vmem>>, %arg7: memref<!tpu.dma_semaphore, #tpu.memory_space<semaphore_mem>>) attributes {dimension_semantics = [#tpu.dimension_semantics<core_parallel>, #tpu.dimension_semantics<subcore_parallel>], iteration_bounds = array<i64: 2, 16>, scalar_prefetch = 0 : i64, scratch_operands = 3 : i64, tpu.core_type = #tpu.core_type<sc_vector_subcore>, window_params = [{transform_indices = #map}, {transform_indices = #map1}, {transform_indices = #map}]} {
    %mul3A = arith.constant 2 : i32
    %mul3A_0 = arith.muli %arg1, %mul3A : i32
    %add3A = arith.addi %mul3A_0, %arg0 : i32
    %mul3A_1 = arith.constant 256 : i32
    %mul3A_2 = arith.muli %add3A, %mul3A_1 : i32
    "tpu.region"() ({
      %run_scoped3A = tpu.sem_alloc : memref<!tpu.dma_semaphore, #tpu.memory_space<semaphore_mem>>
      %dma_start3A_7 = tpu.memref_slice %arg3[%mul3A_2] : memref<8192xi32, #tpu.memory_space<hbm>> -> memref<256xi32, #tpu.memory_space<hbm>>
      %dma_start3A_8 = tpu.memref_slice %arg3[%mul3A_2] : memref<8192xi32, #tpu.memory_space<hbm>> -> memref<256xi32, #tpu.memory_space<hbm>>
      tpu.enqueue_dma source(%dma_start3A_8 : memref<256xi32, #tpu.memory_space<hbm>>) target(%arg5 : memref<256xi32, #tpu.memory_space<vmem>>) target_semaphore(%run_scoped3A : memref<!tpu.dma_semaphore, #tpu.memory_space<semaphore_mem>>)
      %dma_wait3A_9 = tpu.memref_slice %arg3[%mul3A_2] : memref<8192xi32, #tpu.memory_space<hbm>> -> memref<256xi32, #tpu.memory_space<hbm>>
      %dma_wait3A_10 = tpu.memref_slice %arg3[%mul3A_2] : memref<8192xi32, #tpu.memory_space<hbm>> -> memref<256xi32, #tpu.memory_space<hbm>>
      tpu.wait_dma2 semaphore(%run_scoped3A : memref<!tpu.dma_semaphore, #tpu.memory_space<semaphore_mem>>) src(%dma_wait3A_10 : memref<256xi32, #tpu.memory_space<hbm>>) dst(%arg5 : memref<256xi32, #tpu.memory_space<vmem>>)
      tpu.yield
    }) : () -> ()
    %dma_start3A = arith.constant 0 : i32
    %dma_start3A_3 = arith.constant 0 : i32
    %dma_start3A_4 = tpu.memref_slice %arg2[%dma_start3A, %dma_start3A_3] : memref<8192x32xf32, #tpu.memory_space<hbm>> -> memref<8192x32xf32, #tpu.memory_space<hbm>>
    tpu.enqueue_indirect_dma source(%dma_start3A_4 : memref<8192x32xf32, #tpu.memory_space<hbm>>) target(%arg6 : memref<256x32xf32, #tpu.memory_space<vmem>>) offsets(%arg5 : memref<256xi32, #tpu.memory_space<vmem>>) semaphore(%arg7 : memref<!tpu.dma_semaphore, #tpu.memory_space<semaphore_mem>>)
    %dma_wait3A = arith.constant 0 : i32
    %dma_wait3A_5 = arith.constant 0 : i32
    %dma_wait3A_6 = tpu.memref_slice %arg2[%dma_wait3A, %dma_wait3A_5] : memref<8192x32xf32, #tpu.memory_space<hbm>> -> memref<8192x32xf32, #tpu.memory_space<hbm>>
    tpu.wait_indirect_dma semaphore(%arg7 : memref<!tpu.dma_semaphore, #tpu.memory_space<semaphore_mem>>) src(%dma_wait3A_6 : memref<8192x32xf32, #tpu.memory_space<hbm>>) dst(%arg6 : memref<256x32xf32, #tpu.memory_space<vmem>>)
    "tpu.region"() ({
      %run_scoped3A = tpu.sem_alloc : memref<!tpu.dma_semaphore, #tpu.memory_space<semaphore_mem>>
      %dma_start3A_7 = arith.constant 0 : i32
      %dma_start3A_8 = tpu.memref_slice %arg4[%mul3A_2, %dma_start3A_7] : memref<8192x32xf32, #tpu.memory_space<hbm>> -> memref<256x32xf32, #tpu.memory_space<hbm>>
      %dma_start3A_9 = arith.constant 0 : i32
      %dma_start3A_10 = tpu.memref_slice %arg4[%mul3A_2, %dma_start3A_9] : memref<8192x32xf32, #tpu.memory_space<hbm>> -> memref<256x32xf32, #tpu.memory_space<hbm>>
      tpu.enqueue_dma source(%arg6 : memref<256x32xf32, #tpu.memory_space<vmem>>) target(%dma_start3A_10 : memref<256x32xf32, #tpu.memory_space<hbm>>) target_semaphore(%run_scoped3A : memref<!tpu.dma_semaphore, #tpu.memory_space<semaphore_mem>>)
      %dma_wait3A_11 = arith.constant 0 : i32
      %dma_wait3A_12 = tpu.memref_slice %arg4[%mul3A_2, %dma_wait3A_11] : memref<8192x32xf32, #tpu.memory_space<hbm>> -> memref<256x32xf32, #tpu.memory_space<hbm>>
      %dma_wait3A_13 = arith.constant 0 : i32
      %dma_wait3A_14 = tpu.memref_slice %arg4[%mul3A_2, %dma_wait3A_13] : memref<8192x32xf32, #tpu.memory_space<hbm>> -> memref<256x32xf32, #tpu.memory_space<hbm>>
      tpu.wait_dma2 semaphore(%run_scoped3A : memref<!tpu.dma_semaphore, #tpu.memory_space<semaphore_mem>>) src(%arg6 : memref<256x32xf32, #tpu.memory_space<vmem>>) dst(%dma_wait3A_14 : memref<256x32xf32, #tpu.memory_space<hbm>>)
      tpu.yield
    }) : () -> ()
    return
  }
}

module attributes {stable_mosaic.version = 14 : i64} {
  func.func @_argmin_block(%arg0: i32, %arg1: memref<1024x32xf32, #tpu.memory_space<vmem>>, %arg2: memref<1024x32xbf16, #tpu.memory_space<vmem>>, %arg3: memref<1x8192xf32, #tpu.memory_space<vmem>>, %arg4: memref<8192x32xbf16, #tpu.memory_space<vmem>>, %arg5: memref<1024xi32, #tpu.memory_space<vmem>>) attributes {dimension_semantics = [#tpu.dimension_semantics<arbitrary>], iteration_bounds = array<i64: 8>, scalar_prefetch = 0 : i64, scratch_operands = 0 : i64, tpu.core_type = #tpu.core_type<tc>, window_params = [{transform_indices = @transform_0, window_bounds = array<i64: 1024, 32>}, {transform_indices = @transform_1, window_bounds = array<i64: 1024, 32>}, {pipeline_mode = #tpu.pipeline_mode<synchronous>, transform_indices = @transform_2, window_bounds = array<i64: 1, 8192>}, {pipeline_mode = #tpu.pipeline_mode<synchronous>, transform_indices = @transform_3, window_bounds = array<i64: 8192, 32>}, {transform_indices = @transform_4, window_bounds = array<i64: 1024>}]} {
    %get3A = arith.constant 0 : index
    %get3A_0 = arith.constant 0 : index
    %get3A_1 = vector.load %arg1[%get3A, %get3A_0] : memref<1024x32xf32, #tpu.memory_space<vmem>>, vector<1024x32xf32>
    %get3A_2 = arith.constant 0 : index
    %get3A_3 = arith.constant 0 : index
    %get3A_4 = vector.load %arg2[%get3A_2, %get3A_3] : memref<1024x32xbf16, #tpu.memory_space<vmem>>, vector<1024x32xbf16>
    %mul3A = arith.mulf %get3A_1, %get3A_1 : vector<1024x32xf32>
    %reduce_sum3A = arith.constant dense<0.000000e+00> : vector<1024xf32>
    %reduce_sum3A_5 = vector.multi_reduction <add>, %mul3A, %reduce_sum3A [1] : vector<1024x32xf32> to vector<1024xf32>
    %broadcast_in_dim3A = vector.shape_cast %reduce_sum3A_5 : vector<1024xf32> to vector<1024x1xf32>
    %broadcast_in_dim3A_6 = arith.constant 0x7F800000 : f32
    %broadcast_in_dim3A_7 = vector.broadcast %broadcast_in_dim3A_6 : f32 to vector<1024x1xf32>
    %broadcast_in_dim3A_8 = arith.constant 0 : i32
    %broadcast_in_dim3A_9 = vector.broadcast %broadcast_in_dim3A_8 : i32 to vector<1024x1xi32>
    %iota3A = tpu.iota {dimensions = array<i32: 1>} : vector<1024x2048xi32>
    %get3A_10 = arith.constant 0 : index
    %get3A_11 = arith.constant 0 : index
    %get3A_12 = vector.load %arg4[%get3A_10, %get3A_11] : memref<8192x32xbf16, #tpu.memory_space<vmem>>, vector<2048x32xbf16>
    %get3A_13 = arith.constant 0 : index
    %get3A_14 = arith.constant 0 : index
    %get3A_15 = vector.load %arg3[%get3A_13, %get3A_14] : memref<1x8192xf32, #tpu.memory_space<vmem>>, vector<1x2048xf32>
    %dot_general3A = arith.constant dense<0.000000e+00> : vector<1024x2048xf32>
    %dot_general3A_16 = tpu.matmul %get3A_4, %get3A_12, %dot_general3A {dimension_numbers = #tpu.dot_dimension_numbers<[1], [1], [0], [0], [0, 0, 1, 0], [], []>, transpose_lhs_hint = false} : vector<1024x32xbf16>, vector<2048x32xbf16>, vector<1024x2048xf32> -> vector<1024x2048xf32>
    %add3A = vector.broadcast %broadcast_in_dim3A : vector<1024x1xf32> to vector<1024x2048xf32>
    %add3A_17 = vector.broadcast %get3A_15 : vector<1x2048xf32> to vector<1024x2048xf32>
    %add3A_18 = arith.addf %add3A, %add3A_17 : vector<1024x2048xf32>
    %add3A_19 = arith.addf %add3A_18, %dot_general3A_16 : vector<1024x2048xf32>
    %reduce_min3A = arith.constant dense<0x7F800000> : vector<1024xf32>
    %reduce_min3A_20 = vector.multi_reduction <minimumf>, %add3A_19, %reduce_min3A [1] : vector<1024x2048xf32> to vector<1024xf32>
    %broadcast_in_dim3A_21 = vector.shape_cast %reduce_min3A_20 : vector<1024xf32> to vector<1024x1xf32>
    %eq3A = vector.broadcast %broadcast_in_dim3A_21 : vector<1024x1xf32> to vector<1024x2048xf32>
    %eq3A_22 = arith.cmpf oeq, %add3A_19, %eq3A : vector<1024x2048xf32>
    %jit3A = arith.constant 2048 : i32
    %broadcast_in_dim3A_23 = vector.broadcast %jit3A : i32 to vector<1024x2048xi32>
    %select_n3A = arith.select %eq3A_22, %iota3A, %broadcast_in_dim3A_23 : vector<1024x2048xi1>, vector<1024x2048xi32>
    %reduce_min3A_24 = arith.constant dense<2147483647> : vector<1024xi32>
    %reduce_min3A_25 = vector.multi_reduction <minsi>, %select_n3A, %reduce_min3A_24 [1] : vector<1024x2048xi32> to vector<1024xi32>
    %broadcast_in_dim3A_26 = vector.shape_cast %reduce_min3A_25 : vector<1024xi32> to vector<1024x1xi32>
    %add3A_27 = arith.constant 0 : i32
    %add3A_28 = vector.broadcast %add3A_27 : i32 to vector<1024x1xi32>
    %add3A_29 = arith.addi %broadcast_in_dim3A_26, %add3A_28 : vector<1024x1xi32>
    %lt3A = arith.cmpf olt, %broadcast_in_dim3A_21, %broadcast_in_dim3A_7 : vector<1024x1xf32>
    %eq3A_30 = arith.cmpf oeq, %broadcast_in_dim3A_21, %broadcast_in_dim3A_7 : vector<1024x1xf32>
    %lt3A_31 = arith.cmpi slt, %add3A_29, %broadcast_in_dim3A_9 : vector<1024x1xi32>
    %and3A = arith.andi %eq3A_30, %lt3A_31 : vector<1024x1xi1>
    %or3A = arith.ori %lt3A, %and3A : vector<1024x1xi1>
    %select_n3A_32 = arith.select %or3A, %add3A_29, %broadcast_in_dim3A_9 : vector<1024x1xi1>, vector<1024x1xi32>
    %select_n3A_33 = arith.select %lt3A, %broadcast_in_dim3A_21, %broadcast_in_dim3A_7 : vector<1024x1xi1>, vector<1024x1xf32>
    %bitcast_convert_type3A = tpu.bitcast %select_n3A_33 : vector<1024x1xf32> -> vector<1024x1xi32>
    %add3A_34 = arith.constant 32767 : i32
    %add3A_35 = vector.broadcast %add3A_34 : i32 to vector<1024x1xi32>
    %add3A_36 = arith.addi %bitcast_convert_type3A, %add3A_35 : vector<1024x1xi32>
    %shift_right_logical3A = arith.constant 16 : i32
    %shift_right_logical3A_37 = vector.broadcast %shift_right_logical3A : i32 to vector<1024x1xi32>
    %shift_right_logical3A_38 = arith.shrui %bitcast_convert_type3A, %shift_right_logical3A_37 : vector<1024x1xi32>
    %and3A_39 = arith.constant 1 : i32
    %and3A_40 = vector.broadcast %and3A_39 : i32 to vector<1024x1xi32>
    %and3A_41 = arith.andi %shift_right_logical3A_38, %and3A_40 : vector<1024x1xi32>
    %add3A_42 = arith.addi %add3A_36, %and3A_41 : vector<1024x1xi32>
    %and3A_43 = arith.constant -65536 : i32
    %and3A_44 = vector.broadcast %and3A_43 : i32 to vector<1024x1xi32>
    %and3A_45 = arith.andi %add3A_42, %and3A_44 : vector<1024x1xi32>
    %bitcast_convert_type3A_46 = tpu.bitcast %and3A_45 : vector<1024x1xi32> -> vector<1024x1xf32>
    %get3A_47 = arith.constant 2048 : index
    %get3A_48 = arith.constant 0 : index
    %get3A_49 = vector.load %arg4[%get3A_47, %get3A_48] : memref<8192x32xbf16, #tpu.memory_space<vmem>>, vector<2048x32xbf16>
    %get3A_50 = arith.constant 0 : index
    %get3A_51 = arith.constant 2048 : index
    %get3A_52 = vector.load %arg3[%get3A_50, %get3A_51] : memref<1x8192xf32, #tpu.memory_space<vmem>>, vector<1x2048xf32>
    %dot_general3A_53 = arith.constant dense<0.000000e+00> : vector<1024x2048xf32>
    %dot_general3A_54 = tpu.matmul %get3A_4, %get3A_49, %dot_general3A_53 {dimension_numbers = #tpu.dot_dimension_numbers<[1], [1], [0], [0], [0, 0, 1, 0], [], []>, transpose_lhs_hint = false} : vector<1024x32xbf16>, vector<2048x32xbf16>, vector<1024x2048xf32> -> vector<1024x2048xf32>
    %add3A_55 = vector.broadcast %broadcast_in_dim3A : vector<1024x1xf32> to vector<1024x2048xf32>
    %add3A_56 = vector.broadcast %get3A_52 : vector<1x2048xf32> to vector<1024x2048xf32>
    %add3A_57 = arith.addf %add3A_55, %add3A_56 : vector<1024x2048xf32>
    %add3A_58 = arith.addf %add3A_57, %dot_general3A_54 : vector<1024x2048xf32>
    %reduce_min3A_59 = arith.constant dense<0x7F800000> : vector<1024xf32>
    %reduce_min3A_60 = vector.multi_reduction <minimumf>, %add3A_58, %reduce_min3A_59 [1] : vector<1024x2048xf32> to vector<1024xf32>
    %broadcast_in_dim3A_61 = vector.shape_cast %reduce_min3A_60 : vector<1024xf32> to vector<1024x1xf32>
    %eq3A_62 = vector.broadcast %broadcast_in_dim3A_61 : vector<1024x1xf32> to vector<1024x2048xf32>
    %eq3A_63 = arith.cmpf oeq, %add3A_58, %eq3A_62 : vector<1024x2048xf32>
    %jit3A_64 = arith.constant 2048 : i32
    %broadcast_in_dim3A_65 = vector.broadcast %jit3A_64 : i32 to vector<1024x2048xi32>
    %select_n3A_66 = arith.select %eq3A_63, %iota3A, %broadcast_in_dim3A_65 : vector<1024x2048xi1>, vector<1024x2048xi32>
    %reduce_min3A_67 = arith.constant dense<2147483647> : vector<1024xi32>
    %reduce_min3A_68 = vector.multi_reduction <minsi>, %select_n3A_66, %reduce_min3A_67 [1] : vector<1024x2048xi32> to vector<1024xi32>
    %broadcast_in_dim3A_69 = vector.shape_cast %reduce_min3A_68 : vector<1024xi32> to vector<1024x1xi32>
    %add3A_70 = arith.constant 2048 : i32
    %add3A_71 = vector.broadcast %add3A_70 : i32 to vector<1024x1xi32>
    %add3A_72 = arith.addi %broadcast_in_dim3A_69, %add3A_71 : vector<1024x1xi32>
    %lt3A_73 = arith.cmpf olt, %broadcast_in_dim3A_61, %bitcast_convert_type3A_46 : vector<1024x1xf32>
    %eq3A_74 = arith.cmpf oeq, %broadcast_in_dim3A_61, %bitcast_convert_type3A_46 : vector<1024x1xf32>
    %lt3A_75 = arith.cmpi slt, %add3A_72, %select_n3A_32 : vector<1024x1xi32>
    %and3A_76 = arith.andi %eq3A_74, %lt3A_75 : vector<1024x1xi1>
    %or3A_77 = arith.ori %lt3A_73, %and3A_76 : vector<1024x1xi1>
    %select_n3A_78 = arith.select %or3A_77, %add3A_72, %select_n3A_32 : vector<1024x1xi1>, vector<1024x1xi32>
    %select_n3A_79 = arith.select %lt3A_73, %broadcast_in_dim3A_61, %bitcast_convert_type3A_46 : vector<1024x1xi1>, vector<1024x1xf32>
    %bitcast_convert_type3A_80 = tpu.bitcast %select_n3A_79 : vector<1024x1xf32> -> vector<1024x1xi32>
    %add3A_81 = arith.constant 32767 : i32
    %add3A_82 = vector.broadcast %add3A_81 : i32 to vector<1024x1xi32>
    %add3A_83 = arith.addi %bitcast_convert_type3A_80, %add3A_82 : vector<1024x1xi32>
    %shift_right_logical3A_84 = arith.constant 16 : i32
    %shift_right_logical3A_85 = vector.broadcast %shift_right_logical3A_84 : i32 to vector<1024x1xi32>
    %shift_right_logical3A_86 = arith.shrui %bitcast_convert_type3A_80, %shift_right_logical3A_85 : vector<1024x1xi32>
    %and3A_87 = arith.constant 1 : i32
    %and3A_88 = vector.broadcast %and3A_87 : i32 to vector<1024x1xi32>
    %and3A_89 = arith.andi %shift_right_logical3A_86, %and3A_88 : vector<1024x1xi32>
    %add3A_90 = arith.addi %add3A_83, %and3A_89 : vector<1024x1xi32>
    %and3A_91 = arith.constant -65536 : i32
    %and3A_92 = vector.broadcast %and3A_91 : i32 to vector<1024x1xi32>
    %and3A_93 = arith.andi %add3A_90, %and3A_92 : vector<1024x1xi32>
    %bitcast_convert_type3A_94 = tpu.bitcast %and3A_93 : vector<1024x1xi32> -> vector<1024x1xf32>
    %get3A_95 = arith.constant 4096 : index
    %get3A_96 = arith.constant 0 : index
    %get3A_97 = vector.load %arg4[%get3A_95, %get3A_96] : memref<8192x32xbf16, #tpu.memory_space<vmem>>, vector<2048x32xbf16>
    %get3A_98 = arith.constant 0 : index
    %get3A_99 = arith.constant 4096 : index
    %get3A_100 = vector.load %arg3[%get3A_98, %get3A_99] : memref<1x8192xf32, #tpu.memory_space<vmem>>, vector<1x2048xf32>
    %dot_general3A_101 = arith.constant dense<0.000000e+00> : vector<1024x2048xf32>
    %dot_general3A_102 = tpu.matmul %get3A_4, %get3A_97, %dot_general3A_101 {dimension_numbers = #tpu.dot_dimension_numbers<[1], [1], [0], [0], [0, 0, 1, 0], [], []>, transpose_lhs_hint = false} : vector<1024x32xbf16>, vector<2048x32xbf16>, vector<1024x2048xf32> -> vector<1024x2048xf32>
    %add3A_103 = vector.broadcast %broadcast_in_dim3A : vector<1024x1xf32> to vector<1024x2048xf32>
    %add3A_104 = vector.broadcast %get3A_100 : vector<1x2048xf32> to vector<1024x2048xf32>
    %add3A_105 = arith.addf %add3A_103, %add3A_104 : vector<1024x2048xf32>
    %add3A_106 = arith.addf %add3A_105, %dot_general3A_102 : vector<1024x2048xf32>
    %reduce_min3A_107 = arith.constant dense<0x7F800000> : vector<1024xf32>
    %reduce_min3A_108 = vector.multi_reduction <minimumf>, %add3A_106, %reduce_min3A_107 [1] : vector<1024x2048xf32> to vector<1024xf32>
    %broadcast_in_dim3A_109 = vector.shape_cast %reduce_min3A_108 : vector<1024xf32> to vector<1024x1xf32>
    %eq3A_110 = vector.broadcast %broadcast_in_dim3A_109 : vector<1024x1xf32> to vector<1024x2048xf32>
    %eq3A_111 = arith.cmpf oeq, %add3A_106, %eq3A_110 : vector<1024x2048xf32>
    %jit3A_112 = arith.constant 2048 : i32
    %broadcast_in_dim3A_113 = vector.broadcast %jit3A_112 : i32 to vector<1024x2048xi32>
    %select_n3A_114 = arith.select %eq3A_111, %iota3A, %broadcast_in_dim3A_113 : vector<1024x2048xi1>, vector<1024x2048xi32>
    %reduce_min3A_115 = arith.constant dense<2147483647> : vector<1024xi32>
    %reduce_min3A_116 = vector.multi_reduction <minsi>, %select_n3A_114, %reduce_min3A_115 [1] : vector<1024x2048xi32> to vector<1024xi32>
    %broadcast_in_dim3A_117 = vector.shape_cast %reduce_min3A_116 : vector<1024xi32> to vector<1024x1xi32>
    %add3A_118 = arith.constant 4096 : i32
    %add3A_119 = vector.broadcast %add3A_118 : i32 to vector<1024x1xi32>
    %add3A_120 = arith.addi %broadcast_in_dim3A_117, %add3A_119 : vector<1024x1xi32>
    %lt3A_121 = arith.cmpf olt, %broadcast_in_dim3A_109, %bitcast_convert_type3A_94 : vector<1024x1xf32>
    %eq3A_122 = arith.cmpf oeq, %broadcast_in_dim3A_109, %bitcast_convert_type3A_94 : vector<1024x1xf32>
    %lt3A_123 = arith.cmpi slt, %add3A_120, %select_n3A_78 : vector<1024x1xi32>
    %and3A_124 = arith.andi %eq3A_122, %lt3A_123 : vector<1024x1xi1>
    %or3A_125 = arith.ori %lt3A_121, %and3A_124 : vector<1024x1xi1>
    %select_n3A_126 = arith.select %or3A_125, %add3A_120, %select_n3A_78 : vector<1024x1xi1>, vector<1024x1xi32>
    %select_n3A_127 = arith.select %lt3A_121, %broadcast_in_dim3A_109, %bitcast_convert_type3A_94 : vector<1024x1xi1>, vector<1024x1xf32>
    %bitcast_convert_type3A_128 = tpu.bitcast %select_n3A_127 : vector<1024x1xf32> -> vector<1024x1xi32>
    %add3A_129 = arith.constant 32767 : i32
    %add3A_130 = vector.broadcast %add3A_129 : i32 to vector<1024x1xi32>
    %add3A_131 = arith.addi %bitcast_convert_type3A_128, %add3A_130 : vector<1024x1xi32>
    %shift_right_logical3A_132 = arith.constant 16 : i32
    %shift_right_logical3A_133 = vector.broadcast %shift_right_logical3A_132 : i32 to vector<1024x1xi32>
    %shift_right_logical3A_134 = arith.shrui %bitcast_convert_type3A_128, %shift_right_logical3A_133 : vector<1024x1xi32>
    %and3A_135 = arith.constant 1 : i32
    %and3A_136 = vector.broadcast %and3A_135 : i32 to vector<1024x1xi32>
    %and3A_137 = arith.andi %shift_right_logical3A_134, %and3A_136 : vector<1024x1xi32>
    %add3A_138 = arith.addi %add3A_131, %and3A_137 : vector<1024x1xi32>
    %and3A_139 = arith.constant -65536 : i32
    %and3A_140 = vector.broadcast %and3A_139 : i32 to vector<1024x1xi32>
    %and3A_141 = arith.andi %add3A_138, %and3A_140 : vector<1024x1xi32>
    %bitcast_convert_type3A_142 = tpu.bitcast %and3A_141 : vector<1024x1xi32> -> vector<1024x1xf32>
    %get3A_143 = arith.constant 6144 : index
    %get3A_144 = arith.constant 0 : index
    %get3A_145 = vector.load %arg4[%get3A_143, %get3A_144] : memref<8192x32xbf16, #tpu.memory_space<vmem>>, vector<2048x32xbf16>
    %get3A_146 = arith.constant 0 : index
    %get3A_147 = arith.constant 6144 : index
    %get3A_148 = vector.load %arg3[%get3A_146, %get3A_147] : memref<1x8192xf32, #tpu.memory_space<vmem>>, vector<1x2048xf32>
    %dot_general3A_149 = arith.constant dense<0.000000e+00> : vector<1024x2048xf32>
    %dot_general3A_150 = tpu.matmul %get3A_4, %get3A_145, %dot_general3A_149 {dimension_numbers = #tpu.dot_dimension_numbers<[1], [1], [0], [0], [0, 0, 1, 0], [], []>, transpose_lhs_hint = false} : vector<1024x32xbf16>, vector<2048x32xbf16>, vector<1024x2048xf32> -> vector<1024x2048xf32>
    %add3A_151 = vector.broadcast %broadcast_in_dim3A : vector<1024x1xf32> to vector<1024x2048xf32>
    %add3A_152 = vector.broadcast %get3A_148 : vector<1x2048xf32> to vector<1024x2048xf32>
    %add3A_153 = arith.addf %add3A_151, %add3A_152 : vector<1024x2048xf32>
    %add3A_154 = arith.addf %add3A_153, %dot_general3A_150 : vector<1024x2048xf32>
    %reduce_min3A_155 = arith.constant dense<0x7F800000> : vector<1024xf32>
    %reduce_min3A_156 = vector.multi_reduction <minimumf>, %add3A_154, %reduce_min3A_155 [1] : vector<1024x2048xf32> to vector<1024xf32>
    %broadcast_in_dim3A_157 = vector.shape_cast %reduce_min3A_156 : vector<1024xf32> to vector<1024x1xf32>
    %eq3A_158 = vector.broadcast %broadcast_in_dim3A_157 : vector<1024x1xf32> to vector<1024x2048xf32>
    %eq3A_159 = arith.cmpf oeq, %add3A_154, %eq3A_158 : vector<1024x2048xf32>
    %jit3A_160 = arith.constant 2048 : i32
    %broadcast_in_dim3A_161 = vector.broadcast %jit3A_160 : i32 to vector<1024x2048xi32>
    %select_n3A_162 = arith.select %eq3A_159, %iota3A, %broadcast_in_dim3A_161 : vector<1024x2048xi1>, vector<1024x2048xi32>
    %reduce_min3A_163 = arith.constant dense<2147483647> : vector<1024xi32>
    %reduce_min3A_164 = vector.multi_reduction <minsi>, %select_n3A_162, %reduce_min3A_163 [1] : vector<1024x2048xi32> to vector<1024xi32>
    %broadcast_in_dim3A_165 = vector.shape_cast %reduce_min3A_164 : vector<1024xi32> to vector<1024x1xi32>
    %add3A_166 = arith.constant 6144 : i32
    %add3A_167 = vector.broadcast %add3A_166 : i32 to vector<1024x1xi32>
    %add3A_168 = arith.addi %broadcast_in_dim3A_165, %add3A_167 : vector<1024x1xi32>
    %lt3A_169 = arith.cmpf olt, %broadcast_in_dim3A_157, %bitcast_convert_type3A_142 : vector<1024x1xf32>
    %eq3A_170 = arith.cmpf oeq, %broadcast_in_dim3A_157, %bitcast_convert_type3A_142 : vector<1024x1xf32>
    %lt3A_171 = arith.cmpi slt, %add3A_168, %select_n3A_126 : vector<1024x1xi32>
    %and3A_172 = arith.andi %eq3A_170, %lt3A_171 : vector<1024x1xi1>
    %or3A_173 = arith.ori %lt3A_169, %and3A_172 : vector<1024x1xi1>
    %select_n3A_174 = arith.select %or3A_173, %add3A_168, %select_n3A_126 : vector<1024x1xi1>, vector<1024x1xi32>
    %squeeze3A = vector.shape_cast %select_n3A_174 : vector<1024x1xi32> to vector<1024xi32>
    %swap3A = arith.constant 0 : index
    %swap3A_175 = vector.load %arg5[%swap3A] : memref<1024xi32, #tpu.memory_space<vmem>>, vector<1024xi32>
    tpu.vector_store %arg5[%swap3A], %squeeze3A {strides = array<i32>} : memref<1024xi32, #tpu.memory_space<vmem>>, vector<1024xi32>,
    return
  }
  func.func @transform_0(%arg0: i32) -> (i32, i32) {
    %c0_i32 = arith.constant 0 : i32
    %c0_i32_0 = arith.constant 0 : i32
    return %arg0, %c0_i32 : i32, i32
  }
  func.func @transform_1(%arg0: i32) -> (i32, i32) {
    %c0_i32 = arith.constant 0 : i32
    %c0_i32_0 = arith.constant 0 : i32
    return %arg0, %c0_i32 : i32, i32
  }
  func.func @transform_2(%arg0: i32) -> (i32, i32) {
    %c0_i32 = arith.constant 0 : i32
    %c0_i32_0 = arith.constant 0 : i32
    %c0_i32_1 = arith.constant 0 : i32
    return %c0_i32, %c0_i32_0 : i32, i32
  }
  func.func @transform_3(%arg0: i32) -> (i32, i32) {
    %c0_i32 = arith.constant 0 : i32
    %c0_i32_0 = arith.constant 0 : i32
    %c0_i32_1 = arith.constant 0 : i32
    return %c0_i32, %c0_i32_0 : i32, i32
  }
  func.func @transform_4(%arg0: i32) -> i32 {
    %c0_i32 = arith.constant 0 : i32
    return %arg0 : i32
  }
}

</mosaic_0001>

<sc_bundles>
// kernel: kernel.4.cloned.1.call-start
scs
__scs_entry_jumppad:
0x0: {  	(pc) =	sbr.rel $0x88, $3  }
0x1: {  	(tag) =	ssettag $0x0;
	lr =	simm.s32 $0x1  }
0x2: {  	[smem:$0x3F9F] =	sst lr;
	_ =	strace $0xD0000000  }
0x3: {  	_ = 	snop  }
0x4: {  	_ = 	snop  }
0x5: {  	_ = 	snop  }
0x6: {  	_ = 	snop  }
0x7: {  	_ = 	snop  }
__scs_overlays_trampoline_lowered:
0x8: {  	[smem:$0x3FAE] =	sst s0  }
0x9: {  	[smem:$0x3FAF] =	sst s1  }
0xa: {  	[smem:$0x3FB0] =	sst s2  }
0xb: {  	[smem:$0x3FB1] =	sst s3  }
0xc: {  	[smem:$0x3FB2] =	sst s4  }
0xd: {  	[smem:$0x3FB3] =	sst s5  }
0xe: {  	[smem:$0x3FB4] =	sst s6  }
0xf: {  	[smem:$0x3FB5] =	sst s7  }
0x10: {  	[smem:$0x3FB6] =	sst s8  }
0x11: {  	[smem:$0x3FB7] =	sst s9;
	s0 =	simm.s32 @!p0 $0x0  }
0x12: {  	s1 =	sld [smem:$0x3F9D];
	s0 =	simm.s32 @p0 $0x1  }
0x13: {  	[smem:$0x3FB8] =	sst s0;
	s0 =	simm.s32 @!p1 $0x0  }
0x14: {  	s2 =	sld [smem:$0x3F9C];
	s0 =	simm.s32 @p1 $0x1  }
0x15: {  	[smem:$0x3FB9] =	sst s0;
	s0 =	simm.s32 @!p2 $0x0  }
0x16: {  	s3 =	sld [smem:$0x3FDB];
	s0 =	simm.s32 @p2 $0x1  }
0x17: {  	s4 =	simm.s32 $0x1BF5;
	[smem:$0x3FBB] =	sst s0  }
0x18: {  	s0 =	sld [smem:$0x3F9E];
	_ =	swait.ge [sflag:s4], $0x0  }
0x19: {  	s7 =	sld [smem:$0x3F9F]  }
0x1a: {  	s8 =	sadd.s32 $0xFFFFE003, lr  }
0x1b: {  	s9 =	sadd.s32 $0xFFFFFEF7, lr;
	s5 =	simm.s32 $0xFFFFFFFF;
	p2 =	slt.u32 s8, $0xFFFFF086  }
0x1c: {  	p1 =	slt.u32 s9, $0xF7A;
	s5 =	simm.s32 @!p2 $0x0  }
0x1d: {  	s5 =	simm.s32 @p1 $0x1;
	p0 =	seq.s32 s7, s2  }
0x1e: {  	s7 =	smul.u32 @!p0 $0xF7A, s2;
	p2 =	seq.s32 @!p0 s5, $0x0  }
0x1f: {  	s9 =	smul.u32 $0xF7A, s1;
	s8 =	simm.s32 @!p0 $0x1BF5;
	p2 =	por !p2, p0  }
0x20: {  	[sflag:s8] =	ssyncset.s32 @!p0 $0xFFFFF086;
	s6 =	sadd.s32 @!p0 s3, s7;
	s7 =	simm.s32 @!p0 $0x108  }
0x21: {  	s3 =	sadd.s32 s3, s9;
	s6 =	sadd.s32 @!p0 $0x88, s6;
	s7 =	simm.s32 @p2 $0x1082  }
0x22: {  	[simem:s7], [sflag:s8] =	dma.local @!p0 [hbm:s6], $0xF7A  }
0x23: {  	s9 =	sor.u32 $0xD0000000, s2;
	s6 =	simm.s32 $0x108;
	_ =	swait.ge @!p0 [sflag:s8], $0x0  }
0x24: {  	s3 =	sadd.s32 $0x88, s3;
	s6 =	simm.s32 @!p1 $0x1082;
	[sflag:s4] =	ssyncset.s32 $0xFFFFF086  }
0x25: {  	[simem:s6], [sflag:s4] =	dma.local [hbm:s3], $0xF7A  }
0x26: {  	[smem:$0x3F9F] =	sst s1;
	(tag) =	ssettag s2;
	_ =	strace s9  }
0x27: {  	s1 =	sld [smem:$0x3FAF]  }
0x28: {  	s2 =	sld [smem:$0x3FB0]  }
0x29: {  	s4 =	sld [smem:$0x3FB2]  }
0x2a: {  	p0 =	seq.s32 s5, $0x0;
	s5 =	sld [smem:$0x3FB3]  }
0x2b: {  	s6 =	sld [smem:$0x3FB4]  }
0x2c: {  	s7 =	sld [smem:$0x3FB5]  }
0x2d: {  	s3 =	simm.s32 $0x108;
	s8 =	sld [smem:$0x3FB6]  }
0x2e: {  	s3 =	simm.s32 @!p0 $0x1082;
	s9 =	sld [smem:$0x3FB7]  }
0x2f: {  	lr =	sadd.s32 s0, s3;
	s0 =	sld [smem:$0x3FAE]  }
0x30: {  	s3 =	sld [smem:$0x3FB1]  }
0x31: {  	[smem:$0x3FBA] =	sst s10  }
0x32: {  	s10 =	sld [smem:$0x3FB8];
	_ =	sdelay $0x3  }
0x33: {  	p0 =	seq.s32 s10, $0x1;
	s10 =	sld [smem:$0x3FBA];
	_ =	sdelay $0x3  }
0x34: {  	[smem:$0x3FBA] =	sst s10  }
0x35: {  	s10 =	sld [smem:$0x3FB9];
	_ =	sdelay $0x3  }
0x36: {  	p1 =	seq.s32 s10, $0x1;
	s10 =	sld [smem:$0x3FBA];
	_ =	sdelay $0x3  }
0x37: {  	[smem:$0x3FBA] =	sst s10  }
0x38: {  	s10 =	sld [smem:$0x3FBB]  }
0x39: {  	_ = 	snop;
	(pc) =	sbr.ind lr, $3  }
0x3a: {  	_ = 	snop  }
0x3b: {  	_ = 	snop  }
0x3c: {  	p2 =	seq.s32 s10, $0x1;
	s10 =	sld [smem:$0x3FBA]  }
0x3d: {  	_ =	shalt  }
0x3e: {  	_ =	shalt  }
0x3f: {  	_ =	shalt  }
0x40: {  	_ =	shalt  }
0x41: {  	_ =	shalt  }
0x42: {  	_ =	shalt  }
0x43: {  	_ =	shalt  }
0x44: {  	_ =	shalt  }
0x45: {  	_ =	shalt  }
0x46: {  	_ =	shalt  }
0x47: {  	_ =	shalt  }
0x48: {  	_ =	shalt  }
0x49: {  	_ =	shalt  }
0x4a: {  	_ =	shalt  }
0x4b: {  	_ =	shalt  }
0x4c: {  	_ =	shalt  }
0x4d: {  	_ =	shalt  }
0x4e: {  	_ =	shalt  }
0x4f: {  	_ =	shalt  }
0x50: {  	_ =	shalt  }
0x51: {  	_ =	shalt  }
0x52: {  	_ =	shalt  }
0x53: {  	_ =	shalt  }
0x54: {  	_ =	shalt  }
0x55: {  	_ =	shalt  }
0x56: {  	_ =	shalt  }
0x57: {  	_ =	shalt  }
0x58: {  	_ =	shalt  }
0x59: {  	_ =	shalt  }
0x5a: {  	_ =	shalt  }
0x5b: {  	_ =	shalt  }
0x5c: {  	_ =	shalt  }
0x5d: {  	_ =	shalt  }
0x5e: {  	_ =	shalt  }
0x5f: {  	_ =	shalt  }
0x60: {  	_ =	shalt  }
0x61: {  	_ =	shalt  }
0x62: {  	_ =	shalt  }
0x63: {  	_ =	shalt  }
0x64: {  	_ =	shalt  }
0x65: {  	_ =	shalt  }
0x66: {  	_ =	shalt  }
0x67: {  	_ =	shalt  }
0x68: {  	_ =	shalt  }
0x69: {  	_ =	shalt  }
0x6a: {  	_ =	shalt  }
0x6b: {  	_ =	shalt  }
0x6c: {  	_ =	shalt  }
0x6d: {  	_ =	shalt  }
0x6e: {  	_ =	shalt  }
0x6f: {  	_ =	shalt  }
0x70: {  	_ =	shalt  }
0x71: {  	_ =	shalt  }
0x72: {  	_ =	shalt  }
0x73: {  	_ =	shalt  }
0x74: {  	_ =	shalt  }
0x75: {  	_ =	shalt  }
0x76: {  	_ =	shalt  }
0x77: {  	_ =	shalt  }
0x78: {  	_ =	shalt  }
0x79: {  	_ =	shalt  }
0x7a: {  	_ =	shalt  }
0x7b: {  	_ =	shalt  }
0x7c: {  	_ =	shalt  }
0x7d: {  	_ =	shalt  }
0x7e: {  	_ =	shalt  }
0x7f: {  	_ =	shalt  }
0x80: {  	_ =	shalt  }
0x81: {  	_ =	shalt  }
0x82: {  	_ =	shalt  }
0x83: {  	_ =	shalt  }
0x84: {  	_ =	shalt  }
0x85: {  	_ =	shalt  }
0x86: {  	_ =	shalt  }
0x87: {  	_ =	shalt  }
.Lfunc_end0:
.L_simem_size_0:
called_computation_lowered:
.L_overlay_start_0:
0x88: {  	s2 =	sld [smem:$0x3FD9]  }
0x89: {  	s3 =	sld [smem:$0x3FFE];
	_ =	sdelay $0x1  }
0x8a: {  	s1 =	srdreg.scid  }
0x8b: {  	s0 =	sand.u32 $0x1, s1  }
0x8c: {  	s14 =	sshll.u32 s0, $0xA;
	s2 =	sadd.s32 s3, s2  }
0x8d: {  	s2 =	sadd.s32 s2, s14  }
0x8e: {  	[smem:$0x3FC6] =	sst s2  }
0x8f: {  	_ = 	snop  }
0x90: {  	s2 =	sld [smem:$0x3FD0];
	_ =	sdelay $0x2  }
0x91: {  	s15 =	simm.s32 $0xA;
	s4 =	simm.s32 $0x10  }
0x92: {  	[smem:s4], [sflag:s15] =	dma.local [hbm:s2], $0x1  }
0x93: {  	_ =	swait.eq [sflag:s15], $0x1  }
0x94: {  	[sflag:s15] =	ssyncset.done $0x0  }
0x95: {  	s16 =	sld [smem:$0x10];
	[sflag:s15] =	ssyncadd.s32 $0xFFFFFFFF  }
0x96: {  	s17 =	sld [smem:$0x11];
	(tm) =	ssettm $0x1  }
0x97: {  	s18 =	sld [smem:$0x3FFB];
	_ =	sdelay $0x3  }
0x98: {  	_ =	strace s18  }
0x99: {  	s4 =	sld [smem:$0x3FFC];
	_ =	sdelay $0x3  }
0x9a: {  	_ =	strace s4  }
0x9b: {  	s4 =	sld [smem:$0x3FFD];
	_ =	sdelay $0x3  }
0x9c: {  	_ =	strace s4  }
0x9d: {  	_ =	strace $0x8FFFFFFF  }
0x9e: {  	s19 =	sld [smem:$0x3FDB];
	_ =	sdelay $0x1  }
0x9f: {  	s5 =	simm.s32 $_scs_section_size  }
0xa0: {  	s6 =	simm.s32 $_size__tile_overlayer_lowered;
	s7 =	simm.s32 $_tile_overlayer_lowered  }
0xa1: {  	s22 =	simm.s32 $0x1BFF;
	s21 =	sshll.u32 s7, $0x1;
	s4 =	sadd.s32 s5, s19  }
0xa2: {  	s8 =	simm.s32 $0x0;
	s20 =	sshll.u32 s6, $0x1;
	s6 =	sadd.s32 s21, s4  }
0xa3: {  	[timem:s8], [sflag:s22] =	dma.local [hbm:s6], s20  }
0xa4: {  	_ =	swait.ge [sflag:s22], s20  }
0xa5: {  	s5 =	ssub.s32 $0x0, s20;
	[sflag:s22] =	ssyncset.done $0x0  }
0xa6: {  	[sflag:s22] =	ssyncadd.s32 s5;
	_ =	sdelay $0x1  }
0xa7: {  	s23 =	simm.s32 $0x1B8B  }
0xa8: {  	_ =	swait.ge [sflag:s23], $0x1  }
0xa9: {  	[sflag:s23] =	ssyncset.done $0x0  }
0xaa: {  	s25 =	simm.s32 $0x1B8E;
	s24 =	sld [smem:$0x3FFE];
	[sflag:s23] =	ssyncadd.s32 $0xFFFFFFFF  }
0xab: {  	s26 =	simm.s32 $execute0_lowered;
	[smem:$0x3FD2] =	sst s25  }
0xac: {  	s6 =	sshll.u32 s26, $0x1;
	_ =	strace $0x80000046;
	[dreg:$0x1] =	wrdreg $0xFFFFFFFF  }
0xad: {  	s28 =	simm.s32 $_size_execute0_lowered;
	s4 =	sadd.s32 s4, s6;
	[dreg:$0x0] =	wrdreg $0x0  }
0xae: {  	s6 =	sshll.u32 s28, $0x1;
	[dreg:$0x2] =	wrdreg s4  }
0xaf: {  	[dreg:$0x3] =	wrdreg s6  }
0xb0: {  	[dreg:$0x4] =	wrdreg $0xC0  }
0xb1: {  	_ =	task [dreg:s8], $0x5FFFF  }
0xb2: {  	[dreg:$0x1] =	wrdreg $0xFFFFFFFF  }
0xb3: {  	[dreg:$0x0] =	wrdreg $0x60  }
0xb4: {  	[dreg:$0x2] =	wrdreg s17  }
0xb5: {  	[dreg:$0x3] =	wrdreg s24  }
0xb6: {  	[dreg:$0x4] =	wrdreg s16  }
0xb7: {  	[dreg:$0x5] =	wrdreg $0x9  }
0xb8: {  	_ =	task.clear_ibuf [dreg:s8], $0x6FFFF;
	_ =	strace $0x90000046  }
0xb9: {  	s29 =	simm.s32 $0x9;
	_ =	strace $0x80000048  }
0xba: {  	_ =	swait.ge [sflag:s29], $0x1  }
0xbb: {  	[sflag:s29] =	ssyncadd.s32 $0xFFFFFFFF  }
0xbc: {  	_ =	strace $0x90000048  }
0xbd: {  	_ =	sfence  }
0xbe: {  	s30 =	sld [smem:$0x0];
	_ =	sdelay $0x2  }
0xbf: {  	s31 =	sshll.u32 s1, $0xD;
	s1 =	sshrl.u32 s1, $0x2  }
0xc0: {  	s3 =	sand.u32 $0x4000, s31;
	s1 =	sadd.s32 s1, s30  }
0xc1: {  	s0 =	sor.u32 s3, s0;
	s1 =	sshll.u32 s1, $0x11  }
0xc2: {  	s0 =	sor.u32 s1, s0  }
0xc3: {  	s0 =	sadd.s32 $0x8F2B, s0  }
0xc4: {  	[sflag:s0] =	ssyncadd.remote.s32 $0x1  }
0xc5: {  	_ =	sfence.sel $0xFFFF  }
0xc6: {  	[dreg:$0x0] =	wrdreg $0xFFFFFFFF;
	(pc) =	sbr.abs _section_cstart, $3  }
0xc7: {  	[dreg:$0x1] =	wrdreg $0xFFFFFFFF  }
0xc8: {  	_ =	task.clear_ibuf [dreg:s8], $0x2FFFF;
	_ =	strace $0x9FFFFFFF  }
0xc9: {  	(tm) =	ssettm $0x7FFFFFFF  }
tec
execute0_lowered:
.L_overlay_start_1:
0x0: {  	(tag) =	ssettag $0x1  }
0x1: {  	s2 =	srdreg.scid  }
0x2: {  	s1 =	rddreg [dreg:$0x0];
	s0 =	stileid.u32;
	s6 =	sand.u32 $0x1, s2  }
0x3: {  	s4 =	rddreg [dreg:$0x1];
	s30 =	sshll.u32 s0, $0x9;
	s3 =	sshll.u32 s6, $0x8  }
0x4: {  	s8 =	rddreg [dreg:$0x2];
	s9 =	sor.u32 s3, s30  }
0x5: {  	s2 =	rddreg [dreg:$0x3];
	s3 =	simm.s32 $0x0;
	s5 =	sshrl.u32 s9, $0x3  }
0x6: {  	s10 =	ssub.s32 $0x2, s6;
	[smem:$0x7FF] =	sst s3;
	s4 =	sadd.s32 s5, s4  }
0x7: {  	_ =	strace $0x80000047;
	s5 =	sadd.s32 $0xA00, s4;
	s4 =	simm.s32 $0x2  }
0x8: {  	[tilespmem:s3], [sflag:$0x2] =	stream.linear.gather [hbm4b:s5+s3], $0x100, $0x38;
	[tilespmem:$0x2100] =	vst v63  }
0x9: {  	s11 =	sshrl.u32 s10, $0x1;
	_ =	swait.ge [sflag:s4], $0x100  }
0xa: {  	s7 =	simm.s32 $0x1;
	s10 =	ssub.s32 s10, s11;
	[sflag:s4] =	ssyncset.done $0x0  }
0xb: {  	s6 =	simm.s32 $0x100;
	s31 =	smax.u32 s10, $0x1;
	[sflag:s4] =	ssyncadd.s32 $0xFFFFFF00  }
0xc: {  	[tilespmem:s6], [sflag:$0x1] =	stream.indirect.gather [hbm4b:s1+s6], $0x20, s3, s6, $0xb8;
	[tilespmem:$0x2100] =	vst v63  }
0xd: {  	p0 =	sne.s32 s31, $0x1;
	_ =	swait.ge [sflag:s7], $0x2000  }
.Ltmp0:
0xe: {  	s9 =	sshll.u32 s9, $0x2;
	[sflag:s7] =	ssyncset.done $0x0;
	(pc) =	sbr.rel @!p0 .LBB2_2-.Ltmp0, $4  }
0xf: {  	s8 =	sadd.s32 s8, s9;
	[sflag:s7] =	ssyncadd.s32 $0xFFFFE000  }
0x10: {  	[hbm4b:s8+s3] =	stream.linear.scatter [tilespmem:s6], [sflag:$0x2], $0x2000, $0x38;
	[tilespmem:$0x2100] =	vst v63  }
0x11: {  	_ =	swait.ge [sflag:s4], $0x2000  }
0x12: {  	s9 =	sadd.s32 $0xFFFFFFFF, s31;
	[sflag:s4] =	ssyncset.done $0x0  }
.LBB2_1:
0x13: {  	p0 =	sne.s32 s9, $0x1;
	s9 =	sadd.s32 $0xFFFFFFFF, s9;
	[sflag:s4] =	ssyncadd.s32 $0xFFFFE000  }
0x14: {  	[tilespmem:s3], [sflag:$0x2] =	stream.linear.gather [hbm4b:s5+s3], $0x100, $0x38;
	[tilespmem:$0x2100] =	vst v63  }
0x15: {  	_ =	swait.ge [sflag:s4], $0x100  }
0x16: {  	[sflag:s4] =	ssyncset.done $0x0  }
0x17: {  	[sflag:s4] =	ssyncadd.s32 $0xFFFFFF00  }
0x18: {  	[tilespmem:s6], [sflag:$0x1] =	stream.indirect.gather [hbm4b:s1+s6], $0x20, s3, s6, $0xb8;
	[tilespmem:$0x2100] =	vst v63  }
0x19: {  	_ =	swait.ge [sflag:s7], $0x2000  }
.Ltmp1:
0x1a: {  	[sflag:s7] =	ssyncset.done $0x0;
	(pc) =	sbr.rel @p0 .LBB2_1-.Ltmp1, $4  }
0x1b: {  	[sflag:s7] =	ssyncadd.s32 $0xFFFFE000  }
0x1c: {  	[hbm4b:s8+s3] =	stream.linear.scatter [tilespmem:s6], [sflag:$0x2], $0x2000, $0x38;
	[tilespmem:$0x2100] =	vst v63  }
0x1d: {  	_ =	swait.ge [sflag:s4], $0x2000  }
0x1e: {  	[sflag:s4] =	ssyncset.done $0x0  }
.LBB2_2:
0x1f: {  	[sflag:s4] =	ssyncadd.s32 $0xFFFFE000  }
0x20: {  	_ =	sfence.sel $0x180000  }
0x21: {  	[bflag:$0x0] =	sbarrier.arrive $0xFFFF  }
0x22: {  	p0 =	sne.s32 s0, $0x0;
	_ =	strace $0x90000047  }
0x23: {  	s0 =	sadd.s32 @!p0 $0x100000, s2;
	[bflag:$0x2] =	sbarrier.arrive $0xFFFF  }
0x24: {  	[sflag:s0] =	ssyncadd.tile.s32 @!p0 $0x1;
	_ =	shalt  }
.Lfunc_end2:
_tile_overlayer_lowered:
.L_overlay_start_2:
0x25: {  	(tag) =	ssettag $0x2  }
0x26: {  	s0 =	rddreg [dreg:$0x0];
	s2 =	stileid.u32  }
0x27: {  	s1 =	rddreg [dreg:$0x1];
	p0 =	sne.s32 s2, $0x0  }
0x28: {  	s3 =	rddreg [dreg:$0x2];
	[bflag:$0x3] =	sbarrier.arrive $0xFFFF;
	s2 =	simm.s32 @!p0 $0x1C02  }
0x29: {  	[timem:s3], [sflag:s2] =	dma.local @!p0 [hbm:s0], s1  }
0x2a: {  	s0 =	simm.s32 @!p0 $0x2  }
0x2b: {  	_ =	swait.ge @!p0 [sflag:s0], s1  }
0x2c: {  	s1 =	ssub.s32 @!p0 $0x0, s1;
	[sflag:s0] =	ssyncset.done @!p0 $0x0  }
0x2d: {  	[sflag:s0] =	ssyncadd.s32 @!p0 s1  }
0x2e: {  	[bflag:$0x3] =	sbarrier.arrive $0xFFFF  }
0x2f: {  	_ =	shalt  }

</sc_bundles>
